<compile_context>
chip_gen: v7x
topology: tpu7x:2x2x1
jax: 0.10.2.dev20260603
libtpu: 0.0.44.dev20260713+nightly
codegen_flags: <defaults>
</compile_context>

<pallas_src>
import functools

import jax
import jax.numpy as jnp
from jax import lax
from jax.experimental import pallas as pl
from jax.experimental.pallas import tpu as pltpu
from jax.experimental.pallas import tpu_sc as plsc

_F, _V, _D_NAME, _D_VAL = 100, 100, 16, 16
_OUT_D = _D_NAME + _D_VAL
_ROW = _F * _OUT_D
_BBLK = 512
_FPAD = 256


def _make_sc_gather():
    info = plsc.get_sparse_core_info()
    nc, ns = info.num_cores, info.num_subcores
    nw = nc * ns
    b_per_w = _FPAD // nw
    mesh = plsc.VectorSubcoreMesh(core_axis_name="c", subcore_axis_name="s")

    @functools.partial(
        pl.kernel, mesh=mesh,
        out_type=jax.ShapeDtypeStruct((_FPAD, 128), jnp.float32),
        scratch_types=[
            pltpu.VMEM((b_per_w,), jnp.int32),
            pltpu.VMEM((b_per_w, 128), jnp.float32),
            pltpu.SemaphoreType.DMA,
        ],
    )
    def gather(table_hbm, idx_hbm, out_hbm, idx_v, rows_v, sem):
        wid = lax.axis_index("s") * nc + lax.axis_index("c")
        base = wid * b_per_w
        pltpu.sync_copy(idx_hbm.at[pl.ds(base, b_per_w)], idx_v)
        pltpu.async_copy(table_hbm.at[idx_v], rows_v, sem).wait()
        pltpu.sync_copy(rows_v, out_hbm.at[pl.ds(base, b_per_w)])

    return gather


def _emb_kernel(fv_ref, emb_ref, w_ref, b_ref, out_ref):
    name_emb = emb_ref[...][:_F, :_D_NAME]
    bias = jnp.broadcast_to(b_ref[...], (_F, _D_VAL))
    name_part = jnp.concatenate([name_emb, bias], axis=1)

    jio = lax.broadcasted_iota(jnp.int32, (_F, _ROW), 1)
    fio = lax.broadcasted_iota(jnp.int32, (_F, _ROW), 0)
    e_mat = ((jio // _OUT_D) == fio).astype(jnp.float32)
    jio2 = lax.broadcasted_iota(jnp.int32, (_OUT_D, _ROW), 1)
    cio = lax.broadcasted_iota(jnp.int32, (_OUT_D, _ROW), 0)
    g_mat = ((jio2 % _OUT_D) == cio).astype(jnp.float32)

    np_exp = lax.dot_general(
        name_part, e_mat, (((0,), (0,)), ((), ())),
        preferred_element_type=jnp.float32)
    name_row = jnp.sum(g_mat * np_exp, axis=0, keepdims=True)

    scale = jnp.concatenate(
        [jnp.zeros((1, _D_NAME), jnp.float32), w_ref[...].T], axis=1)
    scale_row = lax.dot_general(
        scale, g_mat, (((1,), (0,)), ((), ())),
        preferred_element_type=jnp.float32)
    a_mat = e_mat * scale_row

    out_ref[...] = lax.dot_general(
        fv_ref[...], a_mat, (((1,), (0,)), ((), ())),
        preferred_element_type=jnp.float32) + name_row


def kernel(feature_values, name_table, W, b, name_indices):
    batch = feature_values.shape[0]
    b2 = b.reshape(1, _D_VAL)
    idx_pad = jnp.zeros((_FPAD,), jnp.int32).at[:_F].set(
        name_indices.astype(jnp.int32))
    table128 = jnp.pad(name_table, ((0, 0), (0, 128 - _D_NAME)))
    name_emb = _make_sc_gather()(table128, idx_pad)
    out = pl.pallas_call(
        _emb_kernel,
        grid=(batch // _BBLK,),
        in_specs=[
            pl.BlockSpec((_BBLK, _F), lambda i: (i, 0)),
            pl.BlockSpec((_FPAD, 128), lambda i: (0, 0)),
            pl.BlockSpec((_D_VAL, 1), lambda i: (0, 0)),
            pl.BlockSpec((1, _D_VAL), lambda i: (0, 0)),
        ],
        out_specs=pl.BlockSpec((_BBLK, _ROW), lambda i: (i, 0)),
        out_shape=jax.ShapeDtypeStruct((batch, _ROW), jnp.float32),
    )(feature_values, name_emb, W, b2)
    return out.reshape(batch, _F, _OUT_D)

# --- scband reference (transcript-rebuilt; emitter-appended) ---
"""Pipeline reference for scband-feature-embedding-13649406067508 (READ-ONLY COPY).

The authoritative reference and input builder live on the scoring server;
editing this copy changes nothing except your own understanding.
"""

import jax, jax.numpy as jnp
import numpy as np

B, F, V, D_NAME, D_VAL = 16384, 100, 100, 16, 16


def setup_inputs(seed: int = 0) -> dict:
    key = jax.random.key(seed)
    k1, k2, k3 = jax.random.split(key, 3)
    feature_values = jax.random.normal(k1, (B, F), dtype=jnp.float32)
    name_indices = jnp.arange(F, dtype=jnp.int32)
    name_table = jax.random.normal(k2, (V, D_NAME), dtype=jnp.float32)
    # xavier_uniform for Linear(1, d_val): limit = sqrt(6 / (fan_in + fan_out)) = sqrt(6/17)
    limit = float(np.sqrt(6.0 / (1 + D_VAL)))
    W = jax.random.uniform(k3, (D_VAL, 1), dtype=jnp.float32, minval=-limit, maxval=limit)
    b = jnp.zeros((D_VAL,), dtype=jnp.float32)
    return {"feature_values": feature_values, "name_table": name_table, "W": W, "b": b, "name_indices": name_indices}


def reference(feature_values, name_table, W, b, name_indices):
    # name_embed lookup: feature_name index -> R^{d_name}
    name_emb = jnp.take(name_table, name_indices, axis=0)              # [F, d_name]
    # value_projection: Linear(1, d_val) applied per scalar value
    val = feature_values[..., None].astype(jnp.float32)                 # [B, F, 1]
    val_proj = val @ W.T + b                                            # [B, F, d_val]
    # expand name embeddings over batch and concat
    name_emb_batch = jnp.broadcast_to(name_emb[None, :, :], (feature_values.shape[0], name_emb.shape[0], name_emb.shape[1]))
    token_emb = jnp.concatenate([name_emb_batch, val_proj], axis=-1)    # [B, F, d_name + d_val]
    return token_emb

if __name__ == "__main__":
    import jax
    _d = setup_inputs()
    print(jax.jit(kernel)(*tuple(_d.values())))

</pallas_src>

<mosaic_0001>
#map = affine_map<(d0, d1) -> (0, 0)>
#map1 = affine_map<(d0, d1) -> (0)>
module attributes {stable_mosaic.version = 14 : i64} {
  func.func @gather(%arg0: i32, %arg1: i32, %arg2: memref<100x128xf32, #tpu.memory_space<hbm>>, %arg3: memref<256xi32, #tpu.memory_space<hbm>>, %arg4: memref<256x128xf32, #tpu.memory_space<hbm>>, %arg5: memref<8xi32, #tpu.memory_space<vmem>>, %arg6: memref<8x128xf32, #tpu.memory_space<vmem>>, %arg7: memref<!tpu.dma_semaphore, #tpu.memory_space<semaphore_mem>>) attributes {dimension_semantics = [#tpu.dimension_semantics<core_parallel>, #tpu.dimension_semantics<subcore_parallel>], iteration_bounds = array<i64: 2, 16>, scalar_prefetch = 0 : i64, scratch_operands = 3 : i64, tpu.core_type = #tpu.core_type<sc_vector_subcore>, window_params = [{transform_indices = #map}, {transform_indices = #map1}, {transform_indices = #map}]} {
    %mul3A = arith.constant 2 : i32
    %mul3A_0 = arith.muli %arg1, %mul3A : i32
    %add3A = arith.addi %mul3A_0, %arg0 : i32
    %mul3A_1 = arith.constant 8 : i32
    %mul3A_2 = arith.muli %add3A, %mul3A_1 : i32
    "tpu.region"() ({
      %run_scoped3A = tpu.sem_alloc : memref<!tpu.dma_semaphore, #tpu.memory_space<semaphore_mem>>
      %dma_start3A_7 = tpu.memref_slice %arg3[%mul3A_2] : memref<256xi32, #tpu.memory_space<hbm>> -> memref<8xi32, #tpu.memory_space<hbm>>
      %dma_start3A_8 = tpu.memref_slice %arg3[%mul3A_2] : memref<256xi32, #tpu.memory_space<hbm>> -> memref<8xi32, #tpu.memory_space<hbm>>
      tpu.enqueue_dma source(%dma_start3A_8 : memref<8xi32, #tpu.memory_space<hbm>>) target(%arg5 : memref<8xi32, #tpu.memory_space<vmem>>) target_semaphore(%run_scoped3A : memref<!tpu.dma_semaphore, #tpu.memory_space<semaphore_mem>>)
      %dma_wait3A_9 = tpu.memref_slice %arg3[%mul3A_2] : memref<256xi32, #tpu.memory_space<hbm>> -> memref<8xi32, #tpu.memory_space<hbm>>
      %dma_wait3A_10 = tpu.memref_slice %arg3[%mul3A_2] : memref<256xi32, #tpu.memory_space<hbm>> -> memref<8xi32, #tpu.memory_space<hbm>>
      tpu.wait_dma2 semaphore(%run_scoped3A : memref<!tpu.dma_semaphore, #tpu.memory_space<semaphore_mem>>) src(%dma_wait3A_10 : memref<8xi32, #tpu.memory_space<hbm>>) dst(%arg5 : memref<8xi32, #tpu.memory_space<vmem>>)
      tpu.yield
    }) : () -> ()
    %dma_start3A = arith.constant 0 : i32
    %dma_start3A_3 = arith.constant 0 : i32
    %dma_start3A_4 = tpu.memref_slice %arg2[%dma_start3A, %dma_start3A_3] : memref<100x128xf32, #tpu.memory_space<hbm>> -> memref<100x128xf32, #tpu.memory_space<hbm>>
    tpu.enqueue_indirect_dma source(%dma_start3A_4 : memref<100x128xf32, #tpu.memory_space<hbm>>) target(%arg6 : memref<8x128xf32, #tpu.memory_space<vmem>>) offsets(%arg5 : memref<8xi32, #tpu.memory_space<vmem>>) semaphore(%arg7 : memref<!tpu.dma_semaphore, #tpu.memory_space<semaphore_mem>>)
    %dma_wait3A = arith.constant 0 : i32
    %dma_wait3A_5 = arith.constant 0 : i32
    %dma_wait3A_6 = tpu.memref_slice %arg2[%dma_wait3A, %dma_wait3A_5] : memref<100x128xf32, #tpu.memory_space<hbm>> -> memref<100x128xf32, #tpu.memory_space<hbm>>
    tpu.wait_indirect_dma semaphore(%arg7 : memref<!tpu.dma_semaphore, #tpu.memory_space<semaphore_mem>>) src(%dma_wait3A_6 : memref<100x128xf32, #tpu.memory_space<hbm>>) dst(%arg6 : memref<8x128xf32, #tpu.memory_space<vmem>>)
    "tpu.region"() ({
      %run_scoped3A = tpu.sem_alloc : memref<!tpu.dma_semaphore, #tpu.memory_space<semaphore_mem>>
      %dma_start3A_7 = arith.constant 0 : i32
      %dma_start3A_8 = tpu.memref_slice %arg4[%mul3A_2, %dma_start3A_7] : memref<256x128xf32, #tpu.memory_space<hbm>> -> memref<8x128xf32, #tpu.memory_space<hbm>>
      %dma_start3A_9 = arith.constant 0 : i32
      %dma_start3A_10 = tpu.memref_slice %arg4[%mul3A_2, %dma_start3A_9] : memref<256x128xf32, #tpu.memory_space<hbm>> -> memref<8x128xf32, #tpu.memory_space<hbm>>
      tpu.enqueue_dma source(%arg6 : memref<8x128xf32, #tpu.memory_space<vmem>>) target(%dma_start3A_10 : memref<8x128xf32, #tpu.memory_space<hbm>>) target_semaphore(%run_scoped3A : memref<!tpu.dma_semaphore, #tpu.memory_space<semaphore_mem>>)
      %dma_wait3A_11 = arith.constant 0 : i32
      %dma_wait3A_12 = tpu.memref_slice %arg4[%mul3A_2, %dma_wait3A_11] : memref<256x128xf32, #tpu.memory_space<hbm>> -> memref<8x128xf32, #tpu.memory_space<hbm>>
      %dma_wait3A_13 = arith.constant 0 : i32
      %dma_wait3A_14 = tpu.memref_slice %arg4[%mul3A_2, %dma_wait3A_13] : memref<256x128xf32, #tpu.memory_space<hbm>> -> memref<8x128xf32, #tpu.memory_space<hbm>>
      tpu.wait_dma2 semaphore(%run_scoped3A : memref<!tpu.dma_semaphore, #tpu.memory_space<semaphore_mem>>) src(%arg6 : memref<8x128xf32, #tpu.memory_space<vmem>>) dst(%dma_wait3A_14 : memref<8x128xf32, #tpu.memory_space<hbm>>)
      tpu.yield
    }) : () -> ()
    return
  }
}

module attributes {stable_mosaic.version = 14 : i64} {
  func.func @_emb_kernel(%arg0: i32, %arg1: memref<512x100xf32, #tpu.memory_space<vmem>>, %arg2: memref<256x128xf32, #tpu.memory_space<vmem>>, %arg3: memref<16x1xf32, #tpu.memory_space<vmem>>, %arg4: memref<1x16xf32, #tpu.memory_space<vmem>>, %arg5: memref<512x3200xf32, #tpu.memory_space<vmem>>) attributes {dimension_semantics = [#tpu.dimension_semantics<arbitrary>], iteration_bounds = array<i64: 32>, scalar_prefetch = 0 : i64, scratch_operands = 0 : i64, tpu.core_type = #tpu.core_type<tc>, window_params = [{transform_indices = @transform_0, window_bounds = array<i64: 512, 100>}, {pipeline_mode = #tpu.pipeline_mode<synchronous>, transform_indices = @transform_1, window_bounds = array<i64: 256, 128>}, {pipeline_mode = #tpu.pipeline_mode<synchronous>, transform_indices = @transform_2, window_bounds = array<i64: 16, 1>}, {pipeline_mode = #tpu.pipeline_mode<synchronous>, transform_indices = @transform_3, window_bounds = array<i64: 1, 16>}, {transform_indices = @transform_4, window_bounds = array<i64: 512, 3200>}]} {
    %get3A = arith.constant 0 : index
    %get3A_0 = arith.constant 0 : index
    %get3A_1 = vector.load %arg2[%get3A, %get3A_0] : memref<256x128xf32, #tpu.memory_space<vmem>>, vector<256x128xf32>
    %slice3A = vector.extract_strided_slice %get3A_1 {offsets = [0, 0], sizes = [100, 16], strides = [1, 1]} : vector<256x128xf32> to vector<100x16xf32>
    %get3A_2 = arith.constant 0 : index
    %get3A_3 = arith.constant 0 : index
    %get3A_4 = vector.load %arg4[%get3A_2, %get3A_3] : memref<1x16xf32, #tpu.memory_space<vmem>>, vector<1x16xf32>
    %broadcast_in_dim3A = vector.shape_cast %get3A_4 : vector<1x16xf32> to vector<1x16xf32>
    %broadcast_in_dim3A_5 = vector.broadcast %broadcast_in_dim3A : vector<1x16xf32> to vector<100x16xf32>
    %concatenate3A = tpu.concatenate %slice3A, %broadcast_in_dim3A_5 in 1 : vector<100x16xf32>, vector<100x16xf32> -> vector<100x32xf32>
    %iota3A = tpu.iota {dimensions = array<i32: 1>} : vector<100x3200xi32>
    %iota3A_6 = tpu.iota {dimensions = array<i32: 0>} : vector<100x3200xi32>
    %jit3A = arith.constant 32 : i32
    %div3A = vector.broadcast %jit3A : i32 to vector<100x3200xi32>
    %div3A_7 = arith.divsi %iota3A, %div3A : vector<100x3200xi32>
    %sign3A = arith.constant 0 : i32
    %sign3A_8 = vector.broadcast %sign3A : i32 to vector<100x3200xi32>
    %sign3A_9 = arith.cmpi sgt, %iota3A, %sign3A_8 : vector<100x3200xi32>
    %sign3A_10 = arith.extui %sign3A_9 : vector<100x3200xi1> to vector<100x3200xi32>
    %sign3A_11 = arith.constant 0 : i32
    %sign3A_12 = vector.broadcast %sign3A_11 : i32 to vector<100x3200xi32>
    %sign3A_13 = arith.cmpi slt, %iota3A, %sign3A_12 : vector<100x3200xi32>
    %sign3A_14 = arith.extui %sign3A_13 : vector<100x3200xi1> to vector<100x3200xi32>
    %sign3A_15 = arith.subi %sign3A_10, %sign3A_14 : vector<100x3200xi32>
    %sign3A_16 = arith.constant 0 : i32
    %sign3A_17 = arith.cmpi sgt, %jit3A, %sign3A_16 : i32
    %sign3A_18 = arith.extui %sign3A_17 : i1 to i32
    %sign3A_19 = arith.constant 0 : i32
    %sign3A_20 = arith.cmpi slt, %jit3A, %sign3A_19 : i32
    %sign3A_21 = arith.extui %sign3A_20 : i1 to i32
    %sign3A_22 = arith.subi %sign3A_18, %sign3A_21 : i32
    %ne3A = vector.broadcast %sign3A_22 : i32 to vector<100x3200xi32>
    %ne3A_23 = arith.cmpi ne, %sign3A_15, %ne3A : vector<100x3200xi32>
    %rem3A = vector.broadcast %jit3A : i32 to vector<100x3200xi32>
    %rem3A_24 = arith.remsi %iota3A, %rem3A : vector<100x3200xi32>
    %ne3A_25 = arith.constant 0 : i32
    %ne3A_26 = vector.broadcast %ne3A_25 : i32 to vector<100x3200xi32>
    %ne3A_27 = arith.cmpi ne, %rem3A_24, %ne3A_26 : vector<100x3200xi32>
    %and3A = arith.andi %ne3A_23, %ne3A_27 : vector<100x3200xi1>
    %sub3A = arith.constant 1 : i32
    %sub3A_28 = vector.broadcast %sub3A : i32 to vector<100x3200xi32>
    %sub3A_29 = arith.subi %div3A_7, %sub3A_28 : vector<100x3200xi32>
    %select_n3A = arith.select %and3A, %sub3A_29, %div3A_7 : vector<100x3200xi1>, vector<100x3200xi32>
    %eq3A = arith.cmpi eq, %select_n3A, %iota3A_6 : vector<100x3200xi32>
    %convert_element_type3A = arith.extui %eq3A : vector<100x3200xi1> to vector<100x3200xi32>
    %convert_element_type3A_30 = arith.sitofp %convert_element_type3A : vector<100x3200xi32> to vector<100x3200xf32>
    %iota3A_31 = tpu.iota {dimensions = array<i32: 1>} : vector<32x3200xi32>
    %iota3A_32 = tpu.iota {dimensions = array<i32: 0>} : vector<32x3200xi32>
    %jit3A_33 = arith.constant 32 : i32
    %eq3A_34 = arith.constant 0 : i32
    %eq3A_35 = arith.cmpi eq, %jit3A_33, %eq3A_34 : i32
    %jit3A_36 = arith.constant 1 : i32
    %select_n3A_37 = arith.select %eq3A_35, %jit3A_36, %jit3A_33 : i32
    %rem3A_38 = vector.broadcast %select_n3A_37 : i32 to vector<32x3200xi32>
    %rem3A_39 = arith.remsi %iota3A_31, %rem3A_38 : vector<32x3200xi32>
    %ne3A_40 = arith.constant 0 : i32
    %ne3A_41 = vector.broadcast %ne3A_40 : i32 to vector<32x3200xi32>
    %ne3A_42 = arith.cmpi ne, %rem3A_39, %ne3A_41 : vector<32x3200xi32>
    %lt3A = arith.constant 0 : i32
    %lt3A_43 = vector.broadcast %lt3A : i32 to vector<32x3200xi32>
    %lt3A_44 = arith.cmpi slt, %rem3A_39, %lt3A_43 : vector<32x3200xi32>
    %lt3A_45 = arith.constant 0 : i32
    %lt3A_46 = arith.cmpi slt, %select_n3A_37, %lt3A_45 : i32
    %ne3A_47 = vector.broadcast %lt3A_46 : i1 to vector<32x3200xi1>
    %ne3A_48 = vector.broadcast %ne3A_47 : vector<32x3200xi1> to vector<32x3200xi1>
    %ne3A_49 = arith.xori %lt3A_44, %ne3A_48 : vector<32x3200xi1>
    %and3A_50 = arith.andi %ne3A_49, %ne3A_42 : vector<32x3200xi1>
    %add3A = vector.broadcast %select_n3A_37 : i32 to vector<32x3200xi32>
    %add3A_51 = arith.addi %rem3A_39, %add3A : vector<32x3200xi32>
    %select_n3A_52 = arith.select %and3A_50, %add3A_51, %rem3A_39 : vector<32x3200xi1>, vector<32x3200xi32>
    %eq3A_53 = arith.cmpi eq, %select_n3A_52, %iota3A_32 : vector<32x3200xi32>
    %convert_element_type3A_54 = arith.extui %eq3A_53 : vector<32x3200xi1> to vector<32x3200xi32>
    %convert_element_type3A_55 = arith.sitofp %convert_element_type3A_54 : vector<32x3200xi32> to vector<32x3200xf32>
    %dot_general3A = arith.constant dense<0.000000e+00> : vector<32x3200xf32>
    %dot_general3A_56 = tpu.matmul %concatenate3A, %convert_element_type3A_30, %dot_general3A {dimension_numbers = #tpu.dot_dimension_numbers<[0], [0], [1], [1], [0, 1, 1, 1], [], []>, transpose_lhs_hint = false} : vector<100x32xf32>, vector<100x3200xf32>, vector<32x3200xf32> -> vector<32x3200xf32>
    %mul3A = arith.mulf %convert_element_type3A_55, %dot_general3A_56 : vector<32x3200xf32>
    %reduce_sum3A = arith.constant dense<0.000000e+00> : vector<3200xf32>
    %reduce_sum3A_57 = vector.multi_reduction <add>, %mul3A, %reduce_sum3A [0] : vector<32x3200xf32> to vector<3200xf32>
    %broadcast_in_dim3A_58 = vector.shape_cast %reduce_sum3A_57 : vector<3200xf32> to vector<1x3200xf32>
    %broadcast_in_dim3A_59 = arith.constant 0.000000e+00 : f32
    %broadcast_in_dim3A_60 = vector.broadcast %broadcast_in_dim3A_59 : f32 to vector<1x16xf32>
    %get3A_61 = arith.constant 0 : index
    %get3A_62 = arith.constant 0 : index
    %get3A_63 = vector.load %arg3[%get3A_61, %get3A_62] : memref<16x1xf32, #tpu.memory_space<vmem>>, vector<16x1xf32>
    %transpose3A = tpu.transpose %get3A_63, [1, 0] : vector<16x1xf32> -> vector<1x16xf32>
    %concatenate3A_64 = tpu.concatenate %broadcast_in_dim3A_60, %transpose3A in 1 : vector<1x16xf32>, vector<1x16xf32> -> vector<1x32xf32>
    %dot_general3A_65 = arith.constant dense<0.000000e+00> : vector<1x3200xf32>
    %dot_general3A_66 = tpu.matmul %concatenate3A_64, %convert_element_type3A_55, %dot_general3A_65 {dimension_numbers = #tpu.dot_dimension_numbers<[1], [0], [0], [1], [0, 0, 1, 1], [], []>, transpose_lhs_hint = false} : vector<1x32xf32>, vector<32x3200xf32>, vector<1x3200xf32> -> vector<1x3200xf32>
    %mul3A_67 = vector.broadcast %dot_general3A_66 : vector<1x3200xf32> to vector<100x3200xf32>
    %mul3A_68 = arith.mulf %convert_element_type3A_30, %mul3A_67 : vector<100x3200xf32>
    %get3A_69 = arith.constant 0 : index
    %get3A_70 = arith.constant 0 : index
    %get3A_71 = vector.load %arg1[%get3A_69, %get3A_70] : memref<512x100xf32, #tpu.memory_space<vmem>>, vector<512x100xf32>
    %dot_general3A_72 = arith.constant dense<0.000000e+00> : vector<512x3200xf32>
    %dot_general3A_73 = tpu.matmul %get3A_71, %mul3A_68, %dot_general3A_72 {dimension_numbers = #tpu.dot_dimension_numbers<[1], [0], [0], [1], [0, 0, 1, 1], [], []>, transpose_lhs_hint = false} : vector<512x100xf32>, vector<100x3200xf32>, vector<512x3200xf32> -> vector<512x3200xf32>
    %add3A_74 = vector.broadcast %broadcast_in_dim3A_58 : vector<1x3200xf32> to vector<512x3200xf32>
    %add3A_75 = arith.addf %dot_general3A_73, %add3A_74 : vector<512x3200xf32>
    %swap3A = arith.constant 0 : index
    %swap3A_76 = arith.constant 0 : index
    %swap3A_77 = vector.load %arg5[%swap3A, %swap3A_76] : memref<512x3200xf32, #tpu.memory_space<vmem>>, vector<512x3200xf32>
    tpu.vector_store %arg5[%swap3A, %swap3A_76], %add3A_75 {strides = array<i32>} : memref<512x3200xf32, #tpu.memory_space<vmem>>, vector<512x3200xf32>,
    return
  }
  func.func @transform_0(%arg0: i32) -> (i32, i32) {
    %c0_i32 = arith.constant 0 : i32
    %c0_i32_0 = arith.constant 0 : i32
    return %arg0, %c0_i32 : i32, i32
  }
  func.func @transform_1(%arg0: i32) -> (i32, i32) {
    %c0_i32 = arith.constant 0 : i32
    %c0_i32_0 = arith.constant 0 : i32
    %c0_i32_1 = arith.constant 0 : i32
    return %c0_i32, %c0_i32_0 : i32, i32
  }
  func.func @transform_2(%arg0: i32) -> (i32, i32) {
    %c0_i32 = arith.constant 0 : i32
    %c0_i32_0 = arith.constant 0 : i32
    %c0_i32_1 = arith.constant 0 : i32
    return %c0_i32, %c0_i32_0 : i32, i32
  }
  func.func @transform_3(%arg0: i32) -> (i32, i32) {
    %c0_i32 = arith.constant 0 : i32
    %c0_i32_0 = arith.constant 0 : i32
    %c0_i32_1 = arith.constant 0 : i32
    return %c0_i32, %c0_i32_0 : i32, i32
  }
  func.func @transform_4(%arg0: i32) -> (i32, i32) {
    %c0_i32 = arith.constant 0 : i32
    %c0_i32_0 = arith.constant 0 : i32
    return %arg0, %c0_i32 : i32, i32
  }
}

</mosaic_0001>

<sc_bundles>
// kernel: kernel.4.cloned.1.call-start
scs
__scs_entry_jumppad:
0x0: {  	(pc) =	sbr.rel $0x88, $3  }
0x1: {  	(tag) =	ssettag $0x0;
	lr =	simm.s32 $0x1  }
0x2: {  	[smem:$0x3F9C] =	sst lr;
	_ =	strace $0xD0000000  }
0x3: {  	_ = 	snop  }
0x4: {  	_ = 	snop  }
0x5: {  	_ = 	snop  }
0x6: {  	_ = 	snop  }
0x7: {  	_ = 	snop  }
__scs_overlays_trampoline_lowered:
0x8: {  	[smem:$0x3FAB] =	sst s0  }
0x9: {  	[smem:$0x3FAC] =	sst s1  }
0xa: {  	[smem:$0x3FAD] =	sst s2  }
0xb: {  	[smem:$0x3FAE] =	sst s3  }
0xc: {  	[smem:$0x3FAF] =	sst s4  }
0xd: {  	[smem:$0x3FB0] =	sst s5  }
0xe: {  	[smem:$0x3FB1] =	sst s6  }
0xf: {  	[smem:$0x3FB2] =	sst s7  }
0x10: {  	[smem:$0x3FB3] =	sst s8  }
0x11: {  	[smem:$0x3FB4] =	sst s9;
	s0 =	simm.s32 @!p0 $0x0  }
0x12: {  	s1 =	sld [smem:$0x3F9A];
	s0 =	simm.s32 @p0 $0x1  }
0x13: {  	[smem:$0x3FB5] =	sst s0;
	s0 =	simm.s32 @!p1 $0x0  }
0x14: {  	s2 =	sld [smem:$0x3F99];
	s0 =	simm.s32 @p1 $0x1  }
0x15: {  	[smem:$0x3FB6] =	sst s0;
	s0 =	simm.s32 @!p2 $0x0  }
0x16: {  	s3 =	sld [smem:$0x3FDB];
	s0 =	simm.s32 @p2 $0x1  }
0x17: {  	s4 =	simm.s32 $0x1BF5;
	[smem:$0x3FB8] =	sst s0  }
0x18: {  	s0 =	sld [smem:$0x3F9B];
	_ =	swait.ge [sflag:s4], $0x0  }
0x19: {  	s7 =	sld [smem:$0x3F9C]  }
0x1a: {  	s8 =	sadd.s32 $0xFFFFE003, lr  }
0x1b: {  	s9 =	sadd.s32 $0xFFFFFEF7, lr;
	s5 =	simm.s32 $0xFFFFFFFF;
	p2 =	slt.u32 s8, $0xFFFFF086  }
0x1c: {  	p1 =	slt.u32 s9, $0xF7A;
	s5 =	simm.s32 @!p2 $0x0  }
0x1d: {  	s5 =	simm.s32 @p1 $0x1;
	p0 =	seq.s32 s7, s2  }
0x1e: {  	s7 =	smul.u32 @!p0 $0xF7A, s2;
	p2 =	seq.s32 @!p0 s5, $0x0  }
0x1f: {  	s9 =	smul.u32 $0xF7A, s1;
	s8 =	simm.s32 @!p0 $0x1BF5;
	p2 =	por !p2, p0  }
0x20: {  	[sflag:s8] =	ssyncset.s32 @!p0 $0xFFFFF086;
	s6 =	sadd.s32 @!p0 s3, s7;
	s7 =	simm.s32 @!p0 $0x108  }
0x21: {  	s3 =	sadd.s32 s3, s9;
	s6 =	sadd.s32 @!p0 $0x88, s6;
	s7 =	simm.s32 @p2 $0x1082  }
0x22: {  	[simem:s7], [sflag:s8] =	dma.local @!p0 [hbm:s6], $0xF7A  }
0x23: {  	s9 =	sor.u32 $0xD0000000, s2;
	s6 =	simm.s32 $0x108;
	_ =	swait.ge @!p0 [sflag:s8], $0x0  }
0x24: {  	s3 =	sadd.s32 $0x88, s3;
	s6 =	simm.s32 @!p1 $0x1082;
	[sflag:s4] =	ssyncset.s32 $0xFFFFF086  }
0x25: {  	[simem:s6], [sflag:s4] =	dma.local [hbm:s3], $0xF7A  }
0x26: {  	[smem:$0x3F9C] =	sst s1;
	(tag) =	ssettag s2;
	_ =	strace s9  }
0x27: {  	s1 =	sld [smem:$0x3FAC]  }
0x28: {  	s2 =	sld [smem:$0x3FAD]  }
0x29: {  	s4 =	sld [smem:$0x3FAF]  }
0x2a: {  	p0 =	seq.s32 s5, $0x0;
	s5 =	sld [smem:$0x3FB0]  }
0x2b: {  	s6 =	sld [smem:$0x3FB1]  }
0x2c: {  	s7 =	sld [smem:$0x3FB2]  }
0x2d: {  	s3 =	simm.s32 $0x108;
	s8 =	sld [smem:$0x3FB3]  }
0x2e: {  	s3 =	simm.s32 @!p0 $0x1082;
	s9 =	sld [smem:$0x3FB4]  }
0x2f: {  	lr =	sadd.s32 s0, s3;
	s0 =	sld [smem:$0x3FAB]  }
0x30: {  	s3 =	sld [smem:$0x3FAE]  }
0x31: {  	[smem:$0x3FB7] =	sst s10  }
0x32: {  	s10 =	sld [smem:$0x3FB5];
	_ =	sdelay $0x3  }
0x33: {  	p0 =	seq.s32 s10, $0x1;
	s10 =	sld [smem:$0x3FB7];
	_ =	sdelay $0x3  }
0x34: {  	[smem:$0x3FB7] =	sst s10  }
0x35: {  	s10 =	sld [smem:$0x3FB6];
	_ =	sdelay $0x3  }
0x36: {  	p1 =	seq.s32 s10, $0x1;
	s10 =	sld [smem:$0x3FB7];
	_ =	sdelay $0x3  }
0x37: {  	[smem:$0x3FB7] =	sst s10  }
0x38: {  	s10 =	sld [smem:$0x3FB8]  }
0x39: {  	_ = 	snop;
	(pc) =	sbr.ind lr, $3  }
0x3a: {  	_ = 	snop  }
0x3b: {  	_ = 	snop  }
0x3c: {  	p2 =	seq.s32 s10, $0x1;
	s10 =	sld [smem:$0x3FB7]  }
0x3d: {  	_ =	shalt  }
0x3e: {  	_ =	shalt  }
0x3f: {  	_ =	shalt  }
0x40: {  	_ =	shalt  }
0x41: {  	_ =	shalt  }
0x42: {  	_ =	shalt  }
0x43: {  	_ =	shalt  }
0x44: {  	_ =	shalt  }
0x45: {  	_ =	shalt  }
0x46: {  	_ =	shalt  }
0x47: {  	_ =	shalt  }
0x48: {  	_ =	shalt  }
0x49: {  	_ =	shalt  }
0x4a: {  	_ =	shalt  }
0x4b: {  	_ =	shalt  }
0x4c: {  	_ =	shalt  }
0x4d: {  	_ =	shalt  }
0x4e: {  	_ =	shalt  }
0x4f: {  	_ =	shalt  }
0x50: {  	_ =	shalt  }
0x51: {  	_ =	shalt  }
0x52: {  	_ =	shalt  }
0x53: {  	_ =	shalt  }
0x54: {  	_ =	shalt  }
0x55: {  	_ =	shalt  }
0x56: {  	_ =	shalt  }
0x57: {  	_ =	shalt  }
0x58: {  	_ =	shalt  }
0x59: {  	_ =	shalt  }
0x5a: {  	_ =	shalt  }
0x5b: {  	_ =	shalt  }
0x5c: {  	_ =	shalt  }
0x5d: {  	_ =	shalt  }
0x5e: {  	_ =	shalt  }
0x5f: {  	_ =	shalt  }
0x60: {  	_ =	shalt  }
0x61: {  	_ =	shalt  }
0x62: {  	_ =	shalt  }
0x63: {  	_ =	shalt  }
0x64: {  	_ =	shalt  }
0x65: {  	_ =	shalt  }
0x66: {  	_ =	shalt  }
0x67: {  	_ =	shalt  }
0x68: {  	_ =	shalt  }
0x69: {  	_ =	shalt  }
0x6a: {  	_ =	shalt  }
0x6b: {  	_ =	shalt  }
0x6c: {  	_ =	shalt  }
0x6d: {  	_ =	shalt  }
0x6e: {  	_ =	shalt  }
0x6f: {  	_ =	shalt  }
0x70: {  	_ =	shalt  }
0x71: {  	_ =	shalt  }
0x72: {  	_ =	shalt  }
0x73: {  	_ =	shalt  }
0x74: {  	_ =	shalt  }
0x75: {  	_ =	shalt  }
0x76: {  	_ =	shalt  }
0x77: {  	_ =	shalt  }
0x78: {  	_ =	shalt  }
0x79: {  	_ =	shalt  }
0x7a: {  	_ =	shalt  }
0x7b: {  	_ =	shalt  }
0x7c: {  	_ =	shalt  }
0x7d: {  	_ =	shalt  }
0x7e: {  	_ =	shalt  }
0x7f: {  	_ =	shalt  }
0x80: {  	_ =	shalt  }
0x81: {  	_ =	shalt  }
0x82: {  	_ =	shalt  }
0x83: {  	_ =	shalt  }
0x84: {  	_ =	shalt  }
0x85: {  	_ =	shalt  }
0x86: {  	_ =	shalt  }
0x87: {  	_ =	shalt  }
.Lfunc_end0:
.L_simem_size_0:
called_computation_lowered:
.L_overlay_start_0:
0x88: {  	s2 =	sld [smem:$0x3FD9]  }
0x89: {  	s3 =	sld [smem:$0x3FFE];
	_ =	sdelay $0x1  }
0x8a: {  	s1 =	srdreg.scid  }
0x8b: {  	s0 =	sand.u32 $0x1, s1  }
0x8c: {  	s17 =	sshll.u32 s0, $0xA;
	s2 =	sadd.s32 s3, s2  }
0x8d: {  	s2 =	sadd.s32 s2, s17  }
0x8e: {  	[smem:$0x3FC3] =	sst s2  }
0x8f: {  	_ = 	snop  }
0x90: {  	s2 =	sld [smem:$0x3FD0];
	(tm) =	ssettm $0x1  }
0x91: {  	s18 =	sld [smem:$0x3FFB];
	_ =	sdelay $0x3  }
0x92: {  	_ =	strace s18  }
0x93: {  	s3 =	sld [smem:$0x3FFC];
	_ =	sdelay $0x3  }
0x94: {  	_ =	strace s3  }
0x95: {  	s3 =	sld [smem:$0x3FFD];
	_ =	sdelay $0x3  }
0x96: {  	_ =	strace s3  }
0x97: {  	_ =	strace $0x8FFFFFFF  }
0x98: {  	s19 =	sld [smem:$0x3FDB];
	_ =	sdelay $0x1  }
0x99: {  	s4 =	simm.s32 $_scs_section_size  }
0x9a: {  	s5 =	simm.s32 $_size__tile_overlayer_lowered;
	s6 =	simm.s32 $_tile_overlayer_lowered  }
0x9b: {  	s22 =	simm.s32 $0x1BFF;
	s21 =	sshll.u32 s6, $0x1;
	s3 =	sadd.s32 s4, s19  }
0x9c: {  	s7 =	simm.s32 $0x0;
	s20 =	sshll.u32 s5, $0x1;
	s5 =	sadd.s32 s21, s3  }
0x9d: {  	[timem:s7], [sflag:s22] =	dma.local [hbm:s5], s20  }
0x9e: {  	_ =	swait.ge [sflag:s22], s20  }
0x9f: {  	s4 =	ssub.s32 $0x0, s20;
	[sflag:s22] =	ssyncset.done $0x0  }
0xa0: {  	[sflag:s22] =	ssyncadd.s32 s4;
	_ =	sdelay $0x1  }
0xa1: {  	s23 =	simm.s32 $0x1B8B  }
0xa2: {  	_ =	swait.ge [sflag:s23], $0x1  }
0xa3: {  	[sflag:s23] =	ssyncset.done $0x0  }
0xa4: {  	s25 =	simm.s32 $0x1B8E;
	s24 =	sld [smem:$0x3FFE];
	[sflag:s23] =	ssyncadd.s32 $0xFFFFFFFF  }
0xa5: {  	s26 =	simm.s32 $execute0_lowered;
	[smem:$0x3FD2] =	sst s25  }
0xa6: {  	s5 =	sshll.u32 s26, $0x1;
	_ =	strace $0x80000046;
	[dreg:$0x1] =	wrdreg $0xFFFFFFFF  }
0xa7: {  	s28 =	simm.s32 $_size_execute0_lowered;
	s3 =	sadd.s32 s3, s5;
	[dreg:$0x0] =	wrdreg $0x0  }
0xa8: {  	s5 =	sshll.u32 s28, $0x1;
	[dreg:$0x2] =	wrdreg s3  }
0xa9: {  	[dreg:$0x3] =	wrdreg s5  }
0xaa: {  	[dreg:$0x4] =	wrdreg $0xC0  }
0xab: {  	_ =	task [dreg:s7], $0x5FFFF  }
0xac: {  	[dreg:$0x1] =	wrdreg $0xFFFFFFFF  }
0xad: {  	[dreg:$0x0] =	wrdreg $0x60  }
0xae: {  	[dreg:$0x2] =	wrdreg s24  }
0xaf: {  	[dreg:$0x3] =	wrdreg s2  }
0xb0: {  	[dreg:$0x4] =	wrdreg $0x9  }
0xb1: {  	_ =	task.clear_ibuf [dreg:s7], $0x5FFFF;
	_ =	strace $0x90000046  }
0xb2: {  	s29 =	simm.s32 $0x9;
	_ =	strace $0x80000048  }
0xb3: {  	_ =	swait.ge [sflag:s29], $0x1  }
0xb4: {  	[sflag:s29] =	ssyncadd.s32 $0xFFFFFFFF  }
0xb5: {  	_ =	strace $0x90000048  }
0xb6: {  	_ =	sfence  }
0xb7: {  	s30 =	sld [smem:$0x0];
	_ =	sdelay $0x2  }
0xb8: {  	s31 =	sshll.u32 s1, $0xD;
	s1 =	sshrl.u32 s1, $0x2  }
0xb9: {  	s3 =	sand.u32 $0x4000, s31;
	s1 =	sadd.s32 s1, s30  }
0xba: {  	s0 =	sor.u32 s3, s0;
	s1 =	sshll.u32 s1, $0x11  }
0xbb: {  	s0 =	sor.u32 s1, s0  }
0xbc: {  	s0 =	sadd.s32 $0x8F2B, s0  }
0xbd: {  	[sflag:s0] =	ssyncadd.remote.s32 $0x1  }
0xbe: {  	_ =	sfence.sel $0xFFFF  }
0xbf: {  	[dreg:$0x0] =	wrdreg $0xFFFFFFFF;
	(pc) =	sbr.abs _section_cstart, $3  }
0xc0: {  	[dreg:$0x1] =	wrdreg $0xFFFFFFFF  }
0xc1: {  	_ =	task.clear_ibuf [dreg:s7], $0x2FFFF;
	_ =	strace $0x9FFFFFFF  }
0xc2: {  	(tm) =	ssettm $0x7FFFFFFF  }
0xc3: {  	_ =	shalt  }
tec
execute0_lowered:
.L_overlay_start_1:
0x0: {  	(tag) =	ssettag $0x1  }
0x1: {  	s1 =	srdreg.scid  }
0x2: {  	s0 =	stileid.u32;
	s6 =	sand.u32 $0x1, s1  }
0x3: {  	s5 =	rddreg [dreg:$0x0];
	s30 =	sshll.u32 s0, $0x4;
	s2 =	sshll.u32 s6, $0x3  }
0x4: {  	s9 =	rddreg [dreg:$0x1];
	s7 =	simm.s32 $0x80;
	s10 =	sor.u32 s2, s30  }
0x5: {  	s1 =	rddreg [dreg:$0x2];
	s2 =	simm.s32 $0x0;
	s3 =	sshrl.u32 s10, $0x3  }
0x6: {  	s11 =	ssub.s32 $0x2, s6;
	[smem:$0x7FF] =	sst s2;
	s3 =	sadd.s32 s3, s5  }
0x7: {  	_ =	strace $0x80000047;
	s4 =	sadd.s32 $0x800, s3;
	s3 =	simm.s32 $0x2  }
0x8: {  	[tilespmem:s2], [sflag:$0x2] =	stream.linear.gather [hbm4b:s4+s2], $0x8, $0x38;
	[tilespmem:$0x480] =	vst v63  }
0x9: {  	s8 =	simm.s32 $0x1;
	s12 =	sshrl.u32 s11, $0x1;
	_ =	swait.ge [sflag:s3], $0x8  }
0xa: {  	s6 =	simm.s32 $0x8;
	s11 =	ssub.s32 s11, s12;
	[sflag:s3] =	ssyncset.done $0x0  }
0xb: {  	s5 =	sadd.s32 $0xA00, s5;
	s31 =	smax.u32 s11, $0x1;
	[sflag:s3] =	ssyncadd.s32 $0xFFFFFFF8  }
0xc: {  	[tilespmem:s7], [sflag:$0x1] =	stream.indirect.gather [hbm4b:s5+s6], $0x80, s2, s6, $0xb8;
	[tilespmem:$0x480] =	vst v63  }
0xd: {  	p0 =	sne.s32 s31, $0x1;
	_ =	swait.ge [sflag:s8], $0x400  }
.Ltmp0:
0xe: {  	s10 =	sshll.u32 s10, $0x4;
	[sflag:s8] =	ssyncset.done $0x0;
	(pc) =	sbr.rel @!p0 .LBB2_2-.Ltmp0, $4  }
0xf: {  	s9 =	sadd.s32 s9, s10;
	[sflag:s8] =	ssyncadd.s32 $0xFFFFFC00  }
0x10: {  	[hbm4b:s9+s2] =	stream.linear.scatter [tilespmem:s7], [sflag:$0x2], $0x400, $0x38;
	[tilespmem:$0x480] =	vst v63  }
0x11: {  	_ =	swait.ge [sflag:s3], $0x400  }
0x12: {  	s10 =	sadd.s32 $0xFFFFFFFF, s31;
	[sflag:s3] =	ssyncset.done $0x0  }
.LBB2_1:
0x13: {  	p0 =	sne.s32 s10, $0x1;
	s10 =	sadd.s32 $0xFFFFFFFF, s10;
	[sflag:s3] =	ssyncadd.s32 $0xFFFFFC00  }
0x14: {  	[tilespmem:s2], [sflag:$0x2] =	stream.linear.gather [hbm4b:s4+s2], $0x8, $0x38;
	[tilespmem:$0x480] =	vst v63  }
0x15: {  	_ =	swait.ge [sflag:s3], $0x8  }
0x16: {  	[sflag:s3] =	ssyncset.done $0x0  }
0x17: {  	[sflag:s3] =	ssyncadd.s32 $0xFFFFFFF8  }
0x18: {  	[tilespmem:s7], [sflag:$0x1] =	stream.indirect.gather [hbm4b:s5+s6], $0x80, s2, s6, $0xb8;
	[tilespmem:$0x480] =	vst v63  }
0x19: {  	_ =	swait.ge [sflag:s8], $0x400  }
.Ltmp1:
0x1a: {  	[sflag:s8] =	ssyncset.done $0x0;
	(pc) =	sbr.rel @p0 .LBB2_1-.Ltmp1, $4  }
0x1b: {  	[sflag:s8] =	ssyncadd.s32 $0xFFFFFC00  }
0x1c: {  	[hbm4b:s9+s2] =	stream.linear.scatter [tilespmem:s7], [sflag:$0x2], $0x400, $0x38;
	[tilespmem:$0x480] =	vst v63  }
0x1d: {  	_ =	swait.ge [sflag:s3], $0x400  }
0x1e: {  	[sflag:s3] =	ssyncset.done $0x0  }
.LBB2_2:
0x1f: {  	[sflag:s3] =	ssyncadd.s32 $0xFFFFFC00  }
0x20: {  	_ =	sfence.sel $0x180000  }
0x21: {  	[bflag:$0x0] =	sbarrier.arrive $0xFFFF  }
0x22: {  	p0 =	sne.s32 s0, $0x0;
	_ =	strace $0x90000047  }
0x23: {  	s0 =	sadd.s32 @!p0 $0x100000, s1;
	[bflag:$0x2] =	sbarrier.arrive $0xFFFF  }
0x24: {  	[sflag:s0] =	ssyncadd.tile.s32 @!p0 $0x1;
	_ =	shalt  }
.Lfunc_end2:
_tile_overlayer_lowered:
.L_overlay_start_2:
0x25: {  	(tag) =	ssettag $0x2  }
0x26: {  	s0 =	rddreg [dreg:$0x0];
	s2 =	stileid.u32  }
0x27: {  	s1 =	rddreg [dreg:$0x1];
	p0 =	sne.s32 s2, $0x0  }
0x28: {  	s3 =	rddreg [dreg:$0x2];
	[bflag:$0x3] =	sbarrier.arrive $0xFFFF;
	s2 =	simm.s32 @!p0 $0x1C02  }
0x29: {  	[timem:s3], [sflag:s2] =	dma.local @!p0 [hbm:s0], s1  }
0x2a: {  	s0 =	simm.s32 @!p0 $0x2  }
0x2b: {  	_ =	swait.ge @!p0 [sflag:s0], s1  }
0x2c: {  	s1 =	ssub.s32 @!p0 $0x0, s1;
	[sflag:s0] =	ssyncset.done @!p0 $0x0  }
0x2d: {  	[sflag:s0] =	ssyncadd.s32 @!p0 s1  }
0x2e: {  	[bflag:$0x3] =	sbarrier.arrive $0xFFFF  }
0x2f: {  	_ =	shalt  }

</sc_bundles>
